<compile_context>
chip_gen: v7x
topology: tpu7x:2x2x1
jax: 0.10.2.dev20260603
libtpu: 0.0.44.dev20260713+nightly
codegen_flags: <defaults>
</compile_context>

<pallas_src>
import functools

import jax
import jax.numpy as jnp
from jax import lax
from jax.experimental import pallas as pl
from jax.experimental.pallas import tpu as pltpu
from jax.experimental.pallas import tpu_sc as plsc

NUM_ROLES = 6
D = 128
ROWS = 16384
COLS = 200
B = ROWS * COLS
Q = 4
B4 = B // Q
NQR = NUM_ROLES ** Q

NC = 2
NS = 16
NW = NC * NS
B4_PER_W = B4 // NW

BLK = 80
N_BLK = B4_PER_W // BLK
NBUF = 2


PACK_LANES = 512
PACK_ROWS = 800
PACK_GRID = B // (PACK_ROWS * PACK_LANES)


def _pack_body(idx_ref, out_ref):
    x = idx_ref[...].astype(jnp.float32)
    l = lax.broadcasted_iota(jnp.int32, (PACK_LANES, PACK_LANES // Q), 0)
    q = lax.broadcasted_iota(jnp.int32, (PACK_LANES, PACK_LANES // Q), 1)
    p = l - q * Q
    w = ((p == 0) * 216 + (p == 1) * 36 + (p == 2) * 6 + (p == 3) * 1)
    w = jnp.where(l // Q == q, w, 0).astype(jnp.float32)
    packed = lax.dot_general(x, w, (((1,), (0,)), ((), ())),
                             precision=lax.Precision.HIGHEST)
    out_ref[...] = packed.astype(jnp.int32)


def _pack_quads(flat_idx):
    idx2d = flat_idx.reshape(B // PACK_LANES, PACK_LANES)
    out = pl.pallas_call(
        _pack_body,
        grid=(PACK_GRID,),
        in_specs=[pl.BlockSpec((PACK_ROWS, PACK_LANES), lambda i: (i, 0))],
        out_specs=pl.BlockSpec((PACK_ROWS, PACK_LANES // Q), lambda i: (i, 0)),
        out_shape=jax.ShapeDtypeStruct((B // PACK_LANES, PACK_LANES // Q),
                                       jnp.int32),
    )(idx2d)
    return out.reshape(B4)



@functools.partial(
    pl.kernel,
    mesh=plsc.VectorSubcoreMesh(core_axis_name="c", subcore_axis_name="s"),
    out_type=jax.ShapeDtypeStruct((B4, Q, D), jnp.float32),
    scratch_types=[
        pltpu.VMEM((NBUF, BLK), jnp.int32),
        pltpu.VMEM((NBUF, BLK, Q, D), jnp.float32),
        pltpu.VMEM_SHARED((NQR, Q, D), jnp.float32),
        pltpu.SemaphoreType.DMA,
        pltpu.SemaphoreType.DMA,
    ],
)
def _gather_rows(idx_hbm, table4_hbm, out_hbm, idx_v, rows_v, table_v,
                 sem_g, sem_w):
    wid = lax.axis_index("s") * NC + lax.axis_index("c")
    base = wid * B4_PER_W
    @pl.when(lax.axis_index("s") == 0)
    def _():
        pltpu.sync_copy(table4_hbm, table_v)

    plsc.subcore_barrier()

    def fire_gather(b):
        pltpu.async_copy(table_v.at[idx_v.at[b]], rows_v.at[b], sem_g)

    def drain_blk(sem, b):
        pltpu.make_async_copy(out_hbm.at[pl.ds(0, BLK)], rows_v.at[b],
                              sem).wait()

    pltpu.sync_copy(idx_hbm.at[pl.ds(base, BLK)], idx_v.at[0])
    fire_gather(0)
    pltpu.sync_copy(idx_hbm.at[pl.ds(base + BLK, BLK)], idx_v.at[1])

    def step(i, carry):
        b = lax.rem(i, NBUF)
        b1 = lax.rem(i + 1, NBUF)
        drain_blk(sem_g, b)

        @pl.when(i >= 1)
        def _():
            drain_blk(sem_w, b1)

        @pl.when(i < N_BLK - 1)
        def _():
            fire_gather(b1)

        pltpu.async_copy(rows_v.at[b], out_hbm.at[pl.ds(base + i * BLK, BLK)],
                         sem_w)

        @pl.when(i + 2 < N_BLK)
        def _():
            pltpu.sync_copy(idx_hbm.at[pl.ds(base + (i + 2) * BLK, BLK)],
                            idx_v.at[lax.rem(i + 2, NBUF)])

        return carry

    lax.fori_loop(0, N_BLK, step, 0)
    drain_blk(sem_w, (N_BLK - 1) % NBUF)


def kernel(role_indices, embedding_weight):
    flat_idx = role_indices.reshape(B).astype(jnp.int32)
    idx4 = _pack_quads(flat_idx)
    r = jnp.arange(NQR, dtype=jnp.int32)
    digits = jnp.stack([(r // 216) % 6, (r // 36) % 6, (r // 6) % 6, r % 6],
                       axis=1)
    table4 = embedding_weight[digits]
    out = _gather_rows(idx4, table4)
    return out.reshape(ROWS, COLS, D)

# --- scband reference (transcript-rebuilt; emitter-appended) ---
"""Pipeline reference for scband-role-embedding-54812372631830 (READ-ONLY COPY).

The authoritative reference and input builder live on the scoring server;
editing this copy changes nothing except your own understanding.
"""

import jax, jax.numpy as jnp
import numpy as np

NUM_ROLES = 6
N_EMBD = 128

def setup_inputs(seed: int = 0) -> dict:
    key = jax.random.key(seed)
    k_idx, k_w = jax.random.split(key)
    role_indices = jax.random.randint(k_idx, (16384, 200), 0, NUM_ROLES, dtype=jnp.int64 if jax.config.jax_enable_x64 else jnp.int32)
    embedding_weight = jax.random.normal(k_w, (NUM_ROLES, N_EMBD), dtype=jnp.float32)
    return {"role_indices": role_indices, "embedding_weight": embedding_weight}

def reference(role_indices, embedding_weight):
    # nn.Embedding forward: gather rows of the table by index
    return jnp.take(embedding_weight, role_indices, axis=0)

if __name__ == "__main__":
    import jax
    _d = setup_inputs()
    print(jax.jit(kernel)(*tuple(_d.values())))

</pallas_src>

<mosaic_0001>
#map = affine_map<(d0, d1) -> (0)>
#map1 = affine_map<(d0, d1) -> (0, 0, 0)>
module attributes {stable_mosaic.version = 14 : i64} {
  func.func @_gather_rows(%arg0: i32, %arg1: i32, %arg2: memref<819200xi32, #tpu.memory_space<hbm>>, %arg3: memref<1296x4x128xf32, #tpu.memory_space<hbm>>, %arg4: memref<819200x4x128xf32, #tpu.memory_space<hbm>>, %arg5: memref<2x80xi32, #tpu.memory_space<vmem>>, %arg6: memref<2x80x4x128xf32, #tpu.memory_space<vmem>>, %arg7: memref<1296x4x128xf32, #tpu.memory_space<vmem_shared>>, %arg8: memref<!tpu.dma_semaphore, #tpu.memory_space<semaphore_mem>>, %arg9: memref<!tpu.dma_semaphore, #tpu.memory_space<semaphore_mem>>) attributes {dimension_semantics = [#tpu.dimension_semantics<core_parallel>, #tpu.dimension_semantics<subcore_parallel>], iteration_bounds = array<i64: 2, 16>, scalar_prefetch = 0 : i64, scratch_operands = 5 : i64, tpu.core_type = #tpu.core_type<sc_vector_subcore>, window_params = [{transform_indices = #map}, {transform_indices = #map1}, {transform_indices = #map1}]} {
    %mul3A = arith.constant 2 : i32
    %mul3A_0 = arith.muli %arg1, %mul3A : i32
    %add3A = arith.addi %mul3A_0, %arg0 : i32
    %mul3A_1 = arith.constant 25600 : i32
    %mul3A_2 = arith.muli %add3A, %mul3A_1 : i32
    %eq3A = arith.constant 0 : i32
    %eq3A_3 = arith.cmpi eq, %arg1, %eq3A : i32
    %convert_element_type3A = arith.extui %eq3A_3 : i1 to i32
    %cond3A = arith.constant 0 : i32
    %cond3A_4 = arith.cmpi ne, %convert_element_type3A, %cond3A : i32
    scf.if %cond3A_4 {
      "tpu.region"() ({
        %run_scoped3A_44 = tpu.sem_alloc : memref<!tpu.dma_semaphore, #tpu.memory_space<semaphore_mem>>
        tpu.enqueue_dma source(%arg3 : memref<1296x4x128xf32, #tpu.memory_space<hbm>>) target(%arg7 : memref<1296x4x128xf32, #tpu.memory_space<vmem_shared>>) target_semaphore(%run_scoped3A_44 : memref<!tpu.dma_semaphore, #tpu.memory_space<semaphore_mem>>)
        tpu.wait_dma2 semaphore(%run_scoped3A_44 : memref<!tpu.dma_semaphore, #tpu.memory_space<semaphore_mem>>) src(%arg3 : memref<1296x4x128xf32, #tpu.memory_space<hbm>>) dst(%arg7 : memref<1296x4x128xf32, #tpu.memory_space<vmem_shared>>)
        tpu.yield
      }) : () -> ()
    } else {
    }
    %barrier3A = arith.constant 0 : index
    tpu.barrier barrier_id(%barrier3A)
    %run_scoped3A = arith.constant 0 : i32
    "tpu.region"() ({
      %run_scoped3A_44 = tpu.sem_alloc : memref<!tpu.dma_semaphore, #tpu.memory_space<semaphore_mem>>
      %dma_start3A_45 = arith.constant 0 : i32
      %dma_start3A_46 = tpu.memref_slice %arg5[%run_scoped3A, %dma_start3A_45] : memref<2x80xi32, #tpu.memory_space<vmem>> -> memref<1x80xi32, #tpu.memory_space<vmem>>
      %dma_start3A_47 = tpu.memref_squeeze %dma_start3A_46 : memref<1x80xi32, #tpu.memory_space<vmem>> -> memref<80xi32, #tpu.memory_space<vmem>>
      %dma_start3A_48 = tpu.memref_slice %arg2[%mul3A_2] : memref<819200xi32, #tpu.memory_space<hbm>> -> memref<80xi32, #tpu.memory_space<hbm>>
      %dma_start3A_49 = arith.constant 0 : i32
      %dma_start3A_50 = tpu.memref_slice %arg5[%run_scoped3A, %dma_start3A_49] : memref<2x80xi32, #tpu.memory_space<vmem>> -> memref<1x80xi32, #tpu.memory_space<vmem>>
      %dma_start3A_51 = tpu.memref_squeeze %dma_start3A_50 : memref<1x80xi32, #tpu.memory_space<vmem>> -> memref<80xi32, #tpu.memory_space<vmem>>
      %dma_start3A_52 = tpu.memref_slice %arg2[%mul3A_2] : memref<819200xi32, #tpu.memory_space<hbm>> -> memref<80xi32, #tpu.memory_space<hbm>>
      tpu.enqueue_dma source(%dma_start3A_52 : memref<80xi32, #tpu.memory_space<hbm>>) target(%dma_start3A_51 : memref<80xi32, #tpu.memory_space<vmem>>) target_semaphore(%run_scoped3A_44 : memref<!tpu.dma_semaphore, #tpu.memory_space<semaphore_mem>>)
      %dma_wait3A_53 = arith.constant 0 : i32
      %dma_wait3A_54 = tpu.memref_slice %arg5[%run_scoped3A, %dma_wait3A_53] : memref<2x80xi32, #tpu.memory_space<vmem>> -> memref<1x80xi32, #tpu.memory_space<vmem>>
      %dma_wait3A_55 = tpu.memref_squeeze %dma_wait3A_54 : memref<1x80xi32, #tpu.memory_space<vmem>> -> memref<80xi32, #tpu.memory_space<vmem>>
      %dma_wait3A_56 = tpu.memref_slice %arg2[%mul3A_2] : memref<819200xi32, #tpu.memory_space<hbm>> -> memref<80xi32, #tpu.memory_space<hbm>>
      %dma_wait3A_57 = arith.constant 0 : i32
      %dma_wait3A_58 = tpu.memref_slice %arg5[%run_scoped3A, %dma_wait3A_57] : memref<2x80xi32, #tpu.memory_space<vmem>> -> memref<1x80xi32, #tpu.memory_space<vmem>>
      %dma_wait3A_59 = tpu.memref_squeeze %dma_wait3A_58 : memref<1x80xi32, #tpu.memory_space<vmem>> -> memref<80xi32, #tpu.memory_space<vmem>>
      %dma_wait3A_60 = tpu.memref_slice %arg2[%mul3A_2] : memref<819200xi32, #tpu.memory_space<hbm>> -> memref<80xi32, #tpu.memory_space<hbm>>
      tpu.wait_dma2 semaphore(%run_scoped3A_44 : memref<!tpu.dma_semaphore, #tpu.memory_space<semaphore_mem>>) src(%dma_wait3A_60 : memref<80xi32, #tpu.memory_space<hbm>>) dst(%dma_wait3A_59 : memref<80xi32, #tpu.memory_space<vmem>>)
      tpu.yield
    }) : () -> ()
    %dma_start3A = arith.constant 0 : i32
    %dma_start3A_5 = arith.constant 0 : i32
    %dma_start3A_6 = arith.constant 0 : i32
    %dma_start3A_7 = arith.constant 0 : i32
    %dma_start3A_8 = arith.constant 0 : i32
    %dma_start3A_9 = tpu.memref_slice %arg6[%dma_start3A_5, %dma_start3A_6, %dma_start3A_7, %dma_start3A_8] : memref<2x80x4x128xf32, #tpu.memory_space<vmem>> -> memref<1x80x4x128xf32, #tpu.memory_space<vmem>>
    %dma_start3A_10 = tpu.memref_squeeze %dma_start3A_9 : memref<1x80x4x128xf32, #tpu.memory_space<vmem>> -> memref<80x4x128xf32, #tpu.memory_space<vmem>>
    %dma_start3A_11 = arith.constant 0 : i32
    %dma_start3A_12 = tpu.memref_slice %arg5[%dma_start3A, %dma_start3A_11] : memref<2x80xi32, #tpu.memory_space<vmem>> -> memref<1x80xi32, #tpu.memory_space<vmem>>
    %dma_start3A_13 = tpu.memref_squeeze %dma_start3A_12 : memref<1x80xi32, #tpu.memory_space<vmem>> -> memref<80xi32, #tpu.memory_space<vmem>>
    %dma_start3A_14 = arith.constant 0 : i32
    %dma_start3A_15 = arith.constant 0 : i32
    %dma_start3A_16 = arith.constant 0 : i32
    %dma_start3A_17 = tpu.memref_slice %arg7[%dma_start3A_14, %dma_start3A_15, %dma_start3A_16] : memref<1296x4x128xf32, #tpu.memory_space<vmem_shared>> -> memref<1296x4x128xf32, #tpu.memory_space<vmem_shared>>
    tpu.enqueue_indirect_dma source(%dma_start3A_17 : memref<1296x4x128xf32, #tpu.memory_space<vmem_shared>>) target(%dma_start3A_10 : memref<80x4x128xf32, #tpu.memory_space<vmem>>) offsets(%dma_start3A_13 : memref<80xi32, #tpu.memory_space<vmem>>) semaphore(%arg8 : memref<!tpu.dma_semaphore, #tpu.memory_space<semaphore_mem>>)
    %add3A_18 = arith.constant 80 : i32
    %add3A_19 = arith.addi %mul3A_2, %add3A_18 : i32
    %run_scoped3A_20 = arith.constant 1 : i32
    "tpu.region"() ({
      %run_scoped3A_44 = tpu.sem_alloc : memref<!tpu.dma_semaphore, #tpu.memory_space<semaphore_mem>>
      %dma_start3A_45 = arith.constant 0 : i32
      %dma_start3A_46 = tpu.memref_slice %arg5[%run_scoped3A_20, %dma_start3A_45] : memref<2x80xi32, #tpu.memory_space<vmem>> -> memref<1x80xi32, #tpu.memory_space<vmem>>
      %dma_start3A_47 = tpu.memref_squeeze %dma_start3A_46 : memref<1x80xi32, #tpu.memory_space<vmem>> -> memref<80xi32, #tpu.memory_space<vmem>>
      %dma_start3A_48 = tpu.memref_slice %arg2[%add3A_19] : memref<819200xi32, #tpu.memory_space<hbm>> -> memref<80xi32, #tpu.memory_space<hbm>>
      %dma_start3A_49 = arith.constant 0 : i32
      %dma_start3A_50 = tpu.memref_slice %arg5[%run_scoped3A_20, %dma_start3A_49] : memref<2x80xi32, #tpu.memory_space<vmem>> -> memref<1x80xi32, #tpu.memory_space<vmem>>
      %dma_start3A_51 = tpu.memref_squeeze %dma_start3A_50 : memref<1x80xi32, #tpu.memory_space<vmem>> -> memref<80xi32, #tpu.memory_space<vmem>>
      %dma_start3A_52 = tpu.memref_slice %arg2[%add3A_19] : memref<819200xi32, #tpu.memory_space<hbm>> -> memref<80xi32, #tpu.memory_space<hbm>>
      tpu.enqueue_dma source(%dma_start3A_52 : memref<80xi32, #tpu.memory_space<hbm>>) target(%dma_start3A_51 : memref<80xi32, #tpu.memory_space<vmem>>) target_semaphore(%run_scoped3A_44 : memref<!tpu.dma_semaphore, #tpu.memory_space<semaphore_mem>>)
      %dma_wait3A_53 = arith.constant 0 : i32
      %dma_wait3A_54 = tpu.memref_slice %arg5[%run_scoped3A_20, %dma_wait3A_53] : memref<2x80xi32, #tpu.memory_space<vmem>> -> memref<1x80xi32, #tpu.memory_space<vmem>>
      %dma_wait3A_55 = tpu.memref_squeeze %dma_wait3A_54 : memref<1x80xi32, #tpu.memory_space<vmem>> -> memref<80xi32, #tpu.memory_space<vmem>>
      %dma_wait3A_56 = tpu.memref_slice %arg2[%add3A_19] : memref<819200xi32, #tpu.memory_space<hbm>> -> memref<80xi32, #tpu.memory_space<hbm>>
      %dma_wait3A_57 = arith.constant 0 : i32
      %dma_wait3A_58 = tpu.memref_slice %arg5[%run_scoped3A_20, %dma_wait3A_57] : memref<2x80xi32, #tpu.memory_space<vmem>> -> memref<1x80xi32, #tpu.memory_space<vmem>>
      %dma_wait3A_59 = tpu.memref_squeeze %dma_wait3A_58 : memref<1x80xi32, #tpu.memory_space<vmem>> -> memref<80xi32, #tpu.memory_space<vmem>>
      %dma_wait3A_60 = tpu.memref_slice %arg2[%add3A_19] : memref<819200xi32, #tpu.memory_space<hbm>> -> memref<80xi32, #tpu.memory_space<hbm>>
      tpu.wait_dma2 semaphore(%run_scoped3A_44 : memref<!tpu.dma_semaphore, #tpu.memory_space<semaphore_mem>>) src(%dma_wait3A_60 : memref<80xi32, #tpu.memory_space<hbm>>) dst(%dma_wait3A_59 : memref<80xi32, #tpu.memory_space<vmem>>)
      tpu.yield
    }) : () -> ()
    %scan3A = arith.constant 0 : i32
    %scan3A_21 = arith.constant 0 : i32
    %scan3A_22 = arith.constant 320 : i32
    %scan3A_23 = arith.addi %scan3A_21, %scan3A_22 : i32
    %scan3A_24 = arith.constant 1 : i32
    scf.for %scan3A_44 = %scan3A_21 to %scan3A_23 step %scan3A_24  : i32 {
      %rem3A = arith.constant 2 : i32
      %rem3A_45 = arith.remsi %scan3A_44, %rem3A : i32
      %add3A_46 = arith.constant 1 : i32
      %add3A_47 = arith.addi %scan3A_44, %add3A_46 : i32
      %rem3A_48 = arith.constant 2 : i32
      %rem3A_49 = arith.remsi %add3A_47, %rem3A_48 : i32
      %dma_wait3A_50 = arith.constant 0 : i32
      %dma_wait3A_51 = arith.constant 0 : i32
      %dma_wait3A_52 = arith.constant 0 : i32
      %dma_wait3A_53 = tpu.memref_slice %arg6[%rem3A_45, %dma_wait3A_50, %dma_wait3A_51, %dma_wait3A_52] : memref<2x80x4x128xf32, #tpu.memory_space<vmem>> -> memref<1x80x4x128xf32, #tpu.memory_space<vmem>>
      %dma_wait3A_54 = tpu.memref_squeeze %dma_wait3A_53 : memref<1x80x4x128xf32, #tpu.memory_space<vmem>> -> memref<80x4x128xf32, #tpu.memory_space<vmem>>
      %dma_wait3A_55 = arith.constant 0 : i32
      %dma_wait3A_56 = arith.constant 0 : i32
      %dma_wait3A_57 = arith.constant 0 : i32
      %dma_wait3A_58 = tpu.memref_slice %arg4[%dma_wait3A_55, %dma_wait3A_56, %dma_wait3A_57] : memref<819200x4x128xf32, #tpu.memory_space<hbm>> -> memref<80x4x128xf32, #tpu.memory_space<hbm>>
      %dma_wait3A_59 = arith.constant 0 : i32
      %dma_wait3A_60 = arith.constant 0 : i32
      %dma_wait3A_61 = arith.constant 0 : i32
      %dma_wait3A_62 = tpu.memref_slice %arg6[%rem3A_45, %dma_wait3A_59, %dma_wait3A_60, %dma_wait3A_61] : memref<2x80x4x128xf32, #tpu.memory_space<vmem>> -> memref<1x80x4x128xf32, #tpu.memory_space<vmem>>
      %dma_wait3A_63 = tpu.memref_squeeze %dma_wait3A_62 : memref<1x80x4x128xf32, #tpu.memory_space<vmem>> -> memref<80x4x128xf32, #tpu.memory_space<vmem>>
      %dma_wait3A_64 = arith.constant 0 : i32
      %dma_wait3A_65 = arith.constant 0 : i32
      %dma_wait3A_66 = arith.constant 0 : i32
      %dma_wait3A_67 = tpu.memref_slice %arg4[%dma_wait3A_64, %dma_wait3A_65, %dma_wait3A_66] : memref<819200x4x128xf32, #tpu.memory_space<hbm>> -> memref<80x4x128xf32, #tpu.memory_space<hbm>>
      tpu.wait_dma2 semaphore(%arg8 : memref<!tpu.dma_semaphore, #tpu.memory_space<semaphore_mem>>) src(%dma_wait3A_67 : memref<80x4x128xf32, #tpu.memory_space<hbm>>) dst(%dma_wait3A_63 : memref<80x4x128xf32, #tpu.memory_space<vmem>>)
      %ge3A = arith.constant 1 : i32
      %ge3A_68 = arith.cmpi sge, %scan3A_44, %ge3A : i32
      %convert_element_type3A_69 = arith.extui %ge3A_68 : i1 to i32
      %cond3A_70 = arith.constant 0 : i32
      %cond3A_71 = arith.cmpi ne, %convert_element_type3A_69, %cond3A_70 : i32
      scf.if %cond3A_71 {
        %dma_wait3A_102 = arith.constant 0 : i32
        %dma_wait3A_103 = arith.constant 0 : i32
        %dma_wait3A_104 = arith.constant 0 : i32
        %dma_wait3A_105 = tpu.memref_slice %arg6[%rem3A_49, %dma_wait3A_102, %dma_wait3A_103, %dma_wait3A_104] : memref<2x80x4x128xf32, #tpu.memory_space<vmem>> -> memref<1x80x4x128xf32, #tpu.memory_space<vmem>>
        %dma_wait3A_106 = tpu.memref_squeeze %dma_wait3A_105 : memref<1x80x4x128xf32, #tpu.memory_space<vmem>> -> memref<80x4x128xf32, #tpu.memory_space<vmem>>
        %dma_wait3A_107 = arith.constant 0 : i32
        %dma_wait3A_108 = arith.constant 0 : i32
        %dma_wait3A_109 = arith.constant 0 : i32
        %dma_wait3A_110 = tpu.memref_slice %arg4[%dma_wait3A_107, %dma_wait3A_108, %dma_wait3A_109] : memref<819200x4x128xf32, #tpu.memory_space<hbm>> -> memref<80x4x128xf32, #tpu.memory_space<hbm>>
        %dma_wait3A_111 = arith.constant 0 : i32
        %dma_wait3A_112 = arith.constant 0 : i32
        %dma_wait3A_113 = arith.constant 0 : i32
        %dma_wait3A_114 = tpu.memref_slice %arg6[%rem3A_49, %dma_wait3A_111, %dma_wait3A_112, %dma_wait3A_113] : memref<2x80x4x128xf32, #tpu.memory_space<vmem>> -> memref<1x80x4x128xf32, #tpu.memory_space<vmem>>
        %dma_wait3A_115 = tpu.memref_squeeze %dma_wait3A_114 : memref<1x80x4x128xf32, #tpu.memory_space<vmem>> -> memref<80x4x128xf32, #tpu.memory_space<vmem>>
        %dma_wait3A_116 = arith.constant 0 : i32
        %dma_wait3A_117 = arith.constant 0 : i32
        %dma_wait3A_118 = arith.constant 0 : i32
        %dma_wait3A_119 = tpu.memref_slice %arg4[%dma_wait3A_116, %dma_wait3A_117, %dma_wait3A_118] : memref<819200x4x128xf32, #tpu.memory_space<hbm>> -> memref<80x4x128xf32, #tpu.memory_space<hbm>>
        tpu.wait_dma2 semaphore(%arg9 : memref<!tpu.dma_semaphore, #tpu.memory_space<semaphore_mem>>) src(%dma_wait3A_119 : memref<80x4x128xf32, #tpu.memory_space<hbm>>) dst(%dma_wait3A_115 : memref<80x4x128xf32, #tpu.memory_space<vmem>>)
      } else {
      }
      %lt3A = arith.constant 319 : i32
      %lt3A_72 = arith.cmpi slt, %scan3A_44, %lt3A : i32
      %convert_element_type3A_73 = arith.extui %lt3A_72 : i1 to i32
      %cond3A_74 = arith.constant 0 : i32
      %cond3A_75 = arith.cmpi ne, %convert_element_type3A_73, %cond3A_74 : i32
      scf.if %cond3A_75 {
        %dma_start3A_102 = arith.constant 0 : i32
        %dma_start3A_103 = arith.constant 0 : i32
        %dma_start3A_104 = arith.constant 0 : i32
        %dma_start3A_105 = tpu.memref_slice %arg6[%rem3A_49, %dma_start3A_102, %dma_start3A_103, %dma_start3A_104] : memref<2x80x4x128xf32, #tpu.memory_space<vmem>> -> memref<1x80x4x128xf32, #tpu.memory_space<vmem>>
        %dma_start3A_106 = tpu.memref_squeeze %dma_start3A_105 : memref<1x80x4x128xf32, #tpu.memory_space<vmem>> -> memref<80x4x128xf32, #tpu.memory_space<vmem>>
        %dma_start3A_107 = arith.constant 0 : i32
        %dma_start3A_108 = tpu.memref_slice %arg5[%rem3A_49, %dma_start3A_107] : memref<2x80xi32, #tpu.memory_space<vmem>> -> memref<1x80xi32, #tpu.memory_space<vmem>>
        %dma_start3A_109 = tpu.memref_squeeze %dma_start3A_108 : memref<1x80xi32, #tpu.memory_space<vmem>> -> memref<80xi32, #tpu.memory_space<vmem>>
        %dma_start3A_110 = arith.constant 0 : i32
        %dma_start3A_111 = arith.constant 0 : i32
        %dma_start3A_112 = arith.constant 0 : i32
        %dma_start3A_113 = tpu.memref_slice %arg7[%dma_start3A_110, %dma_start3A_111, %dma_start3A_112] : memref<1296x4x128xf32, #tpu.memory_space<vmem_shared>> -> memref<1296x4x128xf32, #tpu.memory_space<vmem_shared>>
        tpu.enqueue_indirect_dma source(%dma_start3A_113 : memref<1296x4x128xf32, #tpu.memory_space<vmem_shared>>) target(%dma_start3A_106 : memref<80x4x128xf32, #tpu.memory_space<vmem>>) offsets(%dma_start3A_109 : memref<80xi32, #tpu.memory_space<vmem>>) semaphore(%arg8 : memref<!tpu.dma_semaphore, #tpu.memory_space<semaphore_mem>>)
      } else {
      }
      %mul3A_76 = arith.constant 80 : i32
      %mul3A_77 = arith.muli %scan3A_44, %mul3A_76 : i32
      %add3A_78 = arith.addi %mul3A_2, %mul3A_77 : i32
      %dma_start3A_79 = arith.constant 0 : i32
      %dma_start3A_80 = arith.constant 0 : i32
      %dma_start3A_81 = arith.constant 0 : i32
      %dma_start3A_82 = tpu.memref_slice %arg6[%rem3A_45, %dma_start3A_79, %dma_start3A_80, %dma_start3A_81] : memref<2x80x4x128xf32, #tpu.memory_space<vmem>> -> memref<1x80x4x128xf32, #tpu.memory_space<vmem>>
      %dma_start3A_83 = tpu.memref_squeeze %dma_start3A_82 : memref<1x80x4x128xf32, #tpu.memory_space<vmem>> -> memref<80x4x128xf32, #tpu.memory_space<vmem>>
      %dma_start3A_84 = arith.constant 0 : i32
      %dma_start3A_85 = arith.constant 0 : i32
      %dma_start3A_86 = tpu.memref_slice %arg4[%add3A_78, %dma_start3A_84, %dma_start3A_85] : memref<819200x4x128xf32, #tpu.memory_space<hbm>> -> memref<80x4x128xf32, #tpu.memory_space<hbm>>
      %dma_start3A_87 = arith.constant 0 : i32
      %dma_start3A_88 = arith.constant 0 : i32
      %dma_start3A_89 = tpu.memref_slice %arg4[%add3A_78, %dma_start3A_87, %dma_start3A_88] : memref<819200x4x128xf32, #tpu.memory_space<hbm>> -> memref<80x4x128xf32, #tpu.memory_space<hbm>>
      %dma_start3A_90 = arith.constant 0 : i32
      %dma_start3A_91 = arith.constant 0 : i32
      %dma_start3A_92 = arith.constant 0 : i32
      %dma_start3A_93 = tpu.memref_slice %arg6[%rem3A_45, %dma_start3A_90, %dma_start3A_91, %dma_start3A_92] : memref<2x80x4x128xf32, #tpu.memory_space<vmem>> -> memref<1x80x4x128xf32, #tpu.memory_space<vmem>>
      %dma_start3A_94 = tpu.memref_squeeze %dma_start3A_93 : memref<1x80x4x128xf32, #tpu.memory_space<vmem>> -> memref<80x4x128xf32, #tpu.memory_space<vmem>>
      tpu.enqueue_dma source(%dma_start3A_94 : memref<80x4x128xf32, #tpu.memory_space<vmem>>) target(%dma_start3A_89 : memref<80x4x128xf32, #tpu.memory_space<hbm>>) target_semaphore(%arg9 : memref<!tpu.dma_semaphore, #tpu.memory_space<semaphore_mem>>)
      %add3A_95 = arith.constant 2 : i32
      %add3A_96 = arith.addi %scan3A_44, %add3A_95 : i32
      %lt3A_97 = arith.constant 320 : i32
      %lt3A_98 = arith.cmpi slt, %add3A_96, %lt3A_97 : i32
      %convert_element_type3A_99 = arith.extui %lt3A_98 : i1 to i32
      %cond3A_100 = arith.constant 0 : i32
      %cond3A_101 = arith.cmpi ne, %convert_element_type3A_99, %cond3A_100 : i32
      scf.if %cond3A_101 {
        %add3A_102 = arith.constant 2 : i32
        %add3A_103 = arith.addi %scan3A_44, %add3A_102 : i32
        %mul3A_104 = arith.constant 80 : i32
        %mul3A_105 = arith.muli %add3A_103, %mul3A_104 : i32
        %add3A_106 = arith.addi %mul3A_2, %mul3A_105 : i32
        %add3A_107 = arith.constant 2 : i32
        %add3A_108 = arith.addi %scan3A_44, %add3A_107 : i32
        %rem3A_109 = arith.constant 2 : i32
        %rem3A_110 = arith.remsi %add3A_108, %rem3A_109 : i32
        "tpu.region"() ({
          %run_scoped3A_111 = tpu.sem_alloc : memref<!tpu.dma_semaphore, #tpu.memory_space<semaphore_mem>>
          %dma_start3A_112 = arith.constant 0 : i32
          %dma_start3A_113 = tpu.memref_slice %arg5[%rem3A_110, %dma_start3A_112] : memref<2x80xi32, #tpu.memory_space<vmem>> -> memref<1x80xi32, #tpu.memory_space<vmem>>
          %dma_start3A_114 = tpu.memref_squeeze %dma_start3A_113 : memref<1x80xi32, #tpu.memory_space<vmem>> -> memref<80xi32, #tpu.memory_space<vmem>>
          %dma_start3A_115 = tpu.memref_slice %arg2[%add3A_106] : memref<819200xi32, #tpu.memory_space<hbm>> -> memref<80xi32, #tpu.memory_space<hbm>>
          %dma_start3A_116 = arith.constant 0 : i32
          %dma_start3A_117 = tpu.memref_slice %arg5[%rem3A_110, %dma_start3A_116] : memref<2x80xi32, #tpu.memory_space<vmem>> -> memref<1x80xi32, #tpu.memory_space<vmem>>
          %dma_start3A_118 = tpu.memref_squeeze %dma_start3A_117 : memref<1x80xi32, #tpu.memory_space<vmem>> -> memref<80xi32, #tpu.memory_space<vmem>>
          %dma_start3A_119 = tpu.memref_slice %arg2[%add3A_106] : memref<819200xi32, #tpu.memory_space<hbm>> -> memref<80xi32, #tpu.memory_space<hbm>>
          tpu.enqueue_dma source(%dma_start3A_119 : memref<80xi32, #tpu.memory_space<hbm>>) target(%dma_start3A_118 : memref<80xi32, #tpu.memory_space<vmem>>) target_semaphore(%run_scoped3A_111 : memref<!tpu.dma_semaphore, #tpu.memory_space<semaphore_mem>>)
          %dma_wait3A_120 = arith.constant 0 : i32
          %dma_wait3A_121 = tpu.memref_slice %arg5[%rem3A_110, %dma_wait3A_120] : memref<2x80xi32, #tpu.memory_space<vmem>> -> memref<1x80xi32, #tpu.memory_space<vmem>>
          %dma_wait3A_122 = tpu.memref_squeeze %dma_wait3A_121 : memref<1x80xi32, #tpu.memory_space<vmem>> -> memref<80xi32, #tpu.memory_space<vmem>>
          %dma_wait3A_123 = tpu.memref_slice %arg2[%add3A_106] : memref<819200xi32, #tpu.memory_space<hbm>> -> memref<80xi32, #tpu.memory_space<hbm>>
          %dma_wait3A_124 = arith.constant 0 : i32
          %dma_wait3A_125 = tpu.memref_slice %arg5[%rem3A_110, %dma_wait3A_124] : memref<2x80xi32, #tpu.memory_space<vmem>> -> memref<1x80xi32, #tpu.memory_space<vmem>>
          %dma_wait3A_126 = tpu.memref_squeeze %dma_wait3A_125 : memref<1x80xi32, #tpu.memory_space<vmem>> -> memref<80xi32, #tpu.memory_space<vmem>>
          %dma_wait3A_127 = tpu.memref_slice %arg2[%add3A_106] : memref<819200xi32, #tpu.memory_space<hbm>> -> memref<80xi32, #tpu.memory_space<hbm>>
          tpu.wait_dma2 semaphore(%run_scoped3A_111 : memref<!tpu.dma_semaphore, #tpu.memory_space<semaphore_mem>>) src(%dma_wait3A_127 : memref<80xi32, #tpu.memory_space<hbm>>) dst(%dma_wait3A_126 : memref<80xi32, #tpu.memory_space<vmem>>)
          tpu.yield
        }) : () -> ()
      } else {
      }
    }
    %scan3A_25 = arith.constant 320 : i32
    %dma_wait3A = arith.constant 1 : i32
    %dma_wait3A_26 = arith.constant 0 : i32
    %dma_wait3A_27 = arith.constant 0 : i32
    %dma_wait3A_28 = arith.constant 0 : i32
    %dma_wait3A_29 = tpu.memref_slice %arg6[%dma_wait3A, %dma_wait3A_26, %dma_wait3A_27, %dma_wait3A_28] : memref<2x80x4x128xf32, #tpu.memory_space<vmem>> -> memref<1x80x4x128xf32, #tpu.memory_space<vmem>>
    %dma_wait3A_30 = tpu.memref_squeeze %dma_wait3A_29 : memref<1x80x4x128xf32, #tpu.memory_space<vmem>> -> memref<80x4x128xf32, #tpu.memory_space<vmem>>
    %dma_wait3A_31 = arith.constant 0 : i32
    %dma_wait3A_32 = arith.constant 0 : i32
    %dma_wait3A_33 = arith.constant 0 : i32
    %dma_wait3A_34 = tpu.memref_slice %arg4[%dma_wait3A_31, %dma_wait3A_32, %dma_wait3A_33] : memref<819200x4x128xf32, #tpu.memory_space<hbm>> -> memref<80x4x128xf32, #tpu.memory_space<hbm>>
    %dma_wait3A_35 = arith.constant 0 : i32
    %dma_wait3A_36 = arith.constant 0 : i32
    %dma_wait3A_37 = arith.constant 0 : i32
    %dma_wait3A_38 = tpu.memref_slice %arg6[%dma_wait3A, %dma_wait3A_35, %dma_wait3A_36, %dma_wait3A_37] : memref<2x80x4x128xf32, #tpu.memory_space<vmem>> -> memref<1x80x4x128xf32, #tpu.memory_space<vmem>>
    %dma_wait3A_39 = tpu.memref_squeeze %dma_wait3A_38 : memref<1x80x4x128xf32, #tpu.memory_space<vmem>> -> memref<80x4x128xf32, #tpu.memory_space<vmem>>
    %dma_wait3A_40 = arith.constant 0 : i32
    %dma_wait3A_41 = arith.constant 0 : i32
    %dma_wait3A_42 = arith.constant 0 : i32
    %dma_wait3A_43 = tpu.memref_slice %arg4[%dma_wait3A_40, %dma_wait3A_41, %dma_wait3A_42] : memref<819200x4x128xf32, #tpu.memory_space<hbm>> -> memref<80x4x128xf32, #tpu.memory_space<hbm>>
    tpu.wait_dma2 semaphore(%arg9 : memref<!tpu.dma_semaphore, #tpu.memory_space<semaphore_mem>>) src(%dma_wait3A_43 : memref<80x4x128xf32, #tpu.memory_space<hbm>>) dst(%dma_wait3A_39 : memref<80x4x128xf32, #tpu.memory_space<vmem>>)
    return
  }
}

module attributes {stable_mosaic.version = 14 : i64} {
  func.func @_pack_body(%arg0: i32, %arg1: memref<800x512xi32, #tpu.memory_space<vmem>>, %arg2: memref<800x128xi32, #tpu.memory_space<vmem>>) attributes {dimension_semantics = [#tpu.dimension_semantics<arbitrary>], iteration_bounds = array<i64: 8>, scalar_prefetch = 0 : i64, scratch_operands = 0 : i64, tpu.core_type = #tpu.core_type<tc>, window_params = [{transform_indices = @transform_0, window_bounds = array<i64: 800, 512>}, {transform_indices = @transform_1, window_bounds = array<i64: 800, 128>}]} {
    %get3A = arith.constant 0 : index
    %get3A_0 = arith.constant 0 : index
    %get3A_1 = vector.load %arg1[%get3A, %get3A_0] : memref<800x512xi32, #tpu.memory_space<vmem>>, vector<800x512xi32>
    %convert_element_type3A = arith.sitofp %get3A_1 : vector<800x512xi32> to vector<800x512xf32>
    %iota3A = tpu.iota {dimensions = array<i32: 0>} : vector<512x128xi32>
    %iota3A_2 = tpu.iota {dimensions = array<i32: 1>} : vector<512x128xi32>
    %mul3A = arith.constant 4 : i32
    %mul3A_3 = vector.broadcast %mul3A : i32 to vector<512x128xi32>
    %mul3A_4 = arith.muli %iota3A_2, %mul3A_3 : vector<512x128xi32>
    %sub3A = arith.subi %iota3A, %mul3A_4 : vector<512x128xi32>
    %eq3A = arith.constant 0 : i32
    %eq3A_5 = vector.broadcast %eq3A : i32 to vector<512x128xi32>
    %eq3A_6 = arith.cmpi eq, %sub3A, %eq3A_5 : vector<512x128xi32>
    %convert_element_type3A_7 = arith.extui %eq3A_6 : vector<512x128xi1> to vector<512x128xi32>
    %mul3A_8 = arith.constant 216 : i32
    %mul3A_9 = vector.broadcast %mul3A_8 : i32 to vector<512x128xi32>
    %mul3A_10 = arith.muli %convert_element_type3A_7, %mul3A_9 : vector<512x128xi32>
    %eq3A_11 = arith.constant 1 : i32
    %eq3A_12 = vector.broadcast %eq3A_11 : i32 to vector<512x128xi32>
    %eq3A_13 = arith.cmpi eq, %sub3A, %eq3A_12 : vector<512x128xi32>
    %convert_element_type3A_14 = arith.extui %eq3A_13 : vector<512x128xi1> to vector<512x128xi32>
    %mul3A_15 = arith.constant 36 : i32
    %mul3A_16 = vector.broadcast %mul3A_15 : i32 to vector<512x128xi32>
    %mul3A_17 = arith.muli %convert_element_type3A_14, %mul3A_16 : vector<512x128xi32>
    %add3A = arith.addi %mul3A_10, %mul3A_17 : vector<512x128xi32>
    %eq3A_18 = arith.constant 2 : i32
    %eq3A_19 = vector.broadcast %eq3A_18 : i32 to vector<512x128xi32>
    %eq3A_20 = arith.cmpi eq, %sub3A, %eq3A_19 : vector<512x128xi32>
    %convert_element_type3A_21 = arith.extui %eq3A_20 : vector<512x128xi1> to vector<512x128xi32>
    %mul3A_22 = arith.constant 6 : i32
    %mul3A_23 = vector.broadcast %mul3A_22 : i32 to vector<512x128xi32>
    %mul3A_24 = arith.muli %convert_element_type3A_21, %mul3A_23 : vector<512x128xi32>
    %add3A_25 = arith.addi %add3A, %mul3A_24 : vector<512x128xi32>
    %eq3A_26 = arith.constant 3 : i32
    %eq3A_27 = vector.broadcast %eq3A_26 : i32 to vector<512x128xi32>
    %eq3A_28 = arith.cmpi eq, %sub3A, %eq3A_27 : vector<512x128xi32>
    %convert_element_type3A_29 = arith.extui %eq3A_28 : vector<512x128xi1> to vector<512x128xi32>
    %mul3A_30 = arith.constant 1 : i32
    %mul3A_31 = vector.broadcast %mul3A_30 : i32 to vector<512x128xi32>
    %mul3A_32 = arith.muli %convert_element_type3A_29, %mul3A_31 : vector<512x128xi32>
    %add3A_33 = arith.addi %add3A_25, %mul3A_32 : vector<512x128xi32>
    %jit3A = arith.constant 4 : i32
    %div3A = vector.broadcast %jit3A : i32 to vector<512x128xi32>
    %div3A_34 = arith.divsi %iota3A, %div3A : vector<512x128xi32>
    %sign3A = arith.constant 0 : i32
    %sign3A_35 = vector.broadcast %sign3A : i32 to vector<512x128xi32>
    %sign3A_36 = arith.cmpi sgt, %iota3A, %sign3A_35 : vector<512x128xi32>
    %sign3A_37 = arith.extui %sign3A_36 : vector<512x128xi1> to vector<512x128xi32>
    %sign3A_38 = arith.constant 0 : i32
    %sign3A_39 = vector.broadcast %sign3A_38 : i32 to vector<512x128xi32>
    %sign3A_40 = arith.cmpi slt, %iota3A, %sign3A_39 : vector<512x128xi32>
    %sign3A_41 = arith.extui %sign3A_40 : vector<512x128xi1> to vector<512x128xi32>
    %sign3A_42 = arith.subi %sign3A_37, %sign3A_41 : vector<512x128xi32>
    %sign3A_43 = arith.constant 0 : i32
    %sign3A_44 = arith.cmpi sgt, %jit3A, %sign3A_43 : i32
    %sign3A_45 = arith.extui %sign3A_44 : i1 to i32
    %sign3A_46 = arith.constant 0 : i32
    %sign3A_47 = arith.cmpi slt, %jit3A, %sign3A_46 : i32
    %sign3A_48 = arith.extui %sign3A_47 : i1 to i32
    %sign3A_49 = arith.subi %sign3A_45, %sign3A_48 : i32
    %ne3A = vector.broadcast %sign3A_49 : i32 to vector<512x128xi32>
    %ne3A_50 = arith.cmpi ne, %sign3A_42, %ne3A : vector<512x128xi32>
    %rem3A = vector.broadcast %jit3A : i32 to vector<512x128xi32>
    %rem3A_51 = arith.remsi %iota3A, %rem3A : vector<512x128xi32>
    %ne3A_52 = arith.constant 0 : i32
    %ne3A_53 = vector.broadcast %ne3A_52 : i32 to vector<512x128xi32>
    %ne3A_54 = arith.cmpi ne, %rem3A_51, %ne3A_53 : vector<512x128xi32>
    %and3A = arith.andi %ne3A_50, %ne3A_54 : vector<512x128xi1>
    %sub3A_55 = arith.constant 1 : i32
    %sub3A_56 = vector.broadcast %sub3A_55 : i32 to vector<512x128xi32>
    %sub3A_57 = arith.subi %div3A_34, %sub3A_56 : vector<512x128xi32>
    %select_n3A = arith.select %and3A, %sub3A_57, %div3A_34 : vector<512x128xi1>, vector<512x128xi32>
    %eq3A_58 = arith.cmpi eq, %select_n3A, %iota3A_2 : vector<512x128xi32>
    %jit3A_59 = arith.constant 0 : i32
    %broadcast_in_dim3A = vector.broadcast %jit3A_59 : i32 to vector<512x128xi32>
    %select_n3A_60 = arith.select %eq3A_58, %add3A_33, %broadcast_in_dim3A : vector<512x128xi1>, vector<512x128xi32>
    %convert_element_type3A_61 = arith.sitofp %select_n3A_60 : vector<512x128xi32> to vector<512x128xf32>
    %dot_general3A = arith.constant dense<0.000000e+00> : vector<800x128xf32>
    %dot_general3A_62 = tpu.matmul %convert_element_type3A, %convert_element_type3A_61, %dot_general3A {dimension_numbers = #tpu.dot_dimension_numbers<[1], [0], [0], [1], [0, 0, 1, 1], [], []>, precision = #tpu.contract_precision<fp32>, transpose_lhs_hint = false} : vector<800x512xf32>, vector<512x128xf32>, vector<800x128xf32> -> vector<800x128xf32>
    %convert_element_type3A_63 = arith.fptosi %dot_general3A_62 : vector<800x128xf32> to vector<800x128xi32>
    %swap3A = arith.constant 0 : index
    %swap3A_64 = arith.constant 0 : index
    %swap3A_65 = vector.load %arg2[%swap3A, %swap3A_64] : memref<800x128xi32, #tpu.memory_space<vmem>>, vector<800x128xi32>
    tpu.vector_store %arg2[%swap3A, %swap3A_64], %convert_element_type3A_63 {strides = array<i32>} : memref<800x128xi32, #tpu.memory_space<vmem>>, vector<800x128xi32>,
    return
  }
  func.func @transform_0(%arg0: i32) -> (i32, i32) {
    %c0_i32 = arith.constant 0 : i32
    %c0_i32_0 = arith.constant 0 : i32
    return %arg0, %c0_i32 : i32, i32
  }
  func.func @transform_1(%arg0: i32) -> (i32, i32) {
    %c0_i32 = arith.constant 0 : i32
    %c0_i32_0 = arith.constant 0 : i32
    return %arg0, %c0_i32 : i32, i32
  }
}

</mosaic_0001>

<sc_bundles>
// kernel: kernel.4.cloned.1.call-start
scs
__scs_entry_jumppad:
0x0: {  	(pc) =	sbr.rel $0x88, $3  }
0x1: {  	(tag) =	ssettag $0x0;
	lr =	simm.s32 $0x1  }
0x2: {  	[smem:$0x3F9F] =	sst lr;
	_ =	strace $0xD0000000  }
0x3: {  	_ = 	snop  }
0x4: {  	_ = 	snop  }
0x5: {  	_ = 	snop  }
0x6: {  	_ = 	snop  }
0x7: {  	_ = 	snop  }
__scs_overlays_trampoline_lowered:
0x8: {  	[smem:$0x3FAE] =	sst s0  }
0x9: {  	[smem:$0x3FAF] =	sst s1  }
0xa: {  	[smem:$0x3FB0] =	sst s2  }
0xb: {  	[smem:$0x3FB1] =	sst s3  }
0xc: {  	[smem:$0x3FB2] =	sst s4  }
0xd: {  	[smem:$0x3FB3] =	sst s5  }
0xe: {  	[smem:$0x3FB4] =	sst s6  }
0xf: {  	[smem:$0x3FB5] =	sst s7  }
0x10: {  	[smem:$0x3FB6] =	sst s8  }
0x11: {  	[smem:$0x3FB7] =	sst s9;
	s0 =	simm.s32 @!p0 $0x0  }
0x12: {  	s1 =	sld [smem:$0x3F9D];
	s0 =	simm.s32 @p0 $0x1  }
0x13: {  	[smem:$0x3FB8] =	sst s0;
	s0 =	simm.s32 @!p1 $0x0  }
0x14: {  	s2 =	sld [smem:$0x3F9C];
	s0 =	simm.s32 @p1 $0x1  }
0x15: {  	[smem:$0x3FB9] =	sst s0;
	s0 =	simm.s32 @!p2 $0x0  }
0x16: {  	s3 =	sld [smem:$0x3FDB];
	s0 =	simm.s32 @p2 $0x1  }
0x17: {  	s4 =	simm.s32 $0x1BF5;
	[smem:$0x3FBB] =	sst s0  }
0x18: {  	s0 =	sld [smem:$0x3F9E];
	_ =	swait.ge [sflag:s4], $0x0  }
0x19: {  	s7 =	sld [smem:$0x3F9F]  }
0x1a: {  	s8 =	sadd.s32 $0xFFFFE003, lr  }
0x1b: {  	s9 =	sadd.s32 $0xFFFFFEF7, lr;
	s5 =	simm.s32 $0xFFFFFFFF;
	p2 =	slt.u32 s8, $0xFFFFF086  }
0x1c: {  	p1 =	slt.u32 s9, $0xF7A;
	s5 =	simm.s32 @!p2 $0x0  }
0x1d: {  	s5 =	simm.s32 @p1 $0x1;
	p0 =	seq.s32 s7, s2  }
0x1e: {  	s7 =	smul.u32 @!p0 $0xF7A, s2;
	p2 =	seq.s32 @!p0 s5, $0x0  }
0x1f: {  	s9 =	smul.u32 $0xF7A, s1;
	s8 =	simm.s32 @!p0 $0x1BF5;
	p2 =	por !p2, p0  }
0x20: {  	[sflag:s8] =	ssyncset.s32 @!p0 $0xFFFFF086;
	s6 =	sadd.s32 @!p0 s3, s7;
	s7 =	simm.s32 @!p0 $0x108  }
0x21: {  	s3 =	sadd.s32 s3, s9;
	s6 =	sadd.s32 @!p0 $0x88, s6;
	s7 =	simm.s32 @p2 $0x1082  }
0x22: {  	[simem:s7], [sflag:s8] =	dma.local @!p0 [hbm:s6], $0xF7A  }
0x23: {  	s9 =	sor.u32 $0xD0000000, s2;
	s6 =	simm.s32 $0x108;
	_ =	swait.ge @!p0 [sflag:s8], $0x0  }
0x24: {  	s3 =	sadd.s32 $0x88, s3;
	s6 =	simm.s32 @!p1 $0x1082;
	[sflag:s4] =	ssyncset.s32 $0xFFFFF086  }
0x25: {  	[simem:s6], [sflag:s4] =	dma.local [hbm:s3], $0xF7A  }
0x26: {  	[smem:$0x3F9F] =	sst s1;
	(tag) =	ssettag s2;
	_ =	strace s9  }
0x27: {  	s1 =	sld [smem:$0x3FAF]  }
0x28: {  	s2 =	sld [smem:$0x3FB0]  }
0x29: {  	s4 =	sld [smem:$0x3FB2]  }
0x2a: {  	p0 =	seq.s32 s5, $0x0;
	s5 =	sld [smem:$0x3FB3]  }
0x2b: {  	s6 =	sld [smem:$0x3FB4]  }
0x2c: {  	s7 =	sld [smem:$0x3FB5]  }
0x2d: {  	s3 =	simm.s32 $0x108;
	s8 =	sld [smem:$0x3FB6]  }
0x2e: {  	s3 =	simm.s32 @!p0 $0x1082;
	s9 =	sld [smem:$0x3FB7]  }
0x2f: {  	lr =	sadd.s32 s0, s3;
	s0 =	sld [smem:$0x3FAE]  }
0x30: {  	s3 =	sld [smem:$0x3FB1]  }
0x31: {  	[smem:$0x3FBA] =	sst s10  }
0x32: {  	s10 =	sld [smem:$0x3FB8];
	_ =	sdelay $0x3  }
0x33: {  	p0 =	seq.s32 s10, $0x1;
	s10 =	sld [smem:$0x3FBA];
	_ =	sdelay $0x3  }
0x34: {  	[smem:$0x3FBA] =	sst s10  }
0x35: {  	s10 =	sld [smem:$0x3FB9];
	_ =	sdelay $0x3  }
0x36: {  	p1 =	seq.s32 s10, $0x1;
	s10 =	sld [smem:$0x3FBA];
	_ =	sdelay $0x3  }
0x37: {  	[smem:$0x3FBA] =	sst s10  }
0x38: {  	s10 =	sld [smem:$0x3FBB]  }
0x39: {  	_ = 	snop;
	(pc) =	sbr.ind lr, $3  }
0x3a: {  	_ = 	snop  }
0x3b: {  	_ = 	snop  }
0x3c: {  	p2 =	seq.s32 s10, $0x1;
	s10 =	sld [smem:$0x3FBA]  }
0x3d: {  	_ =	shalt  }
0x3e: {  	_ =	shalt  }
0x3f: {  	_ =	shalt  }
0x40: {  	_ =	shalt  }
0x41: {  	_ =	shalt  }
0x42: {  	_ =	shalt  }
0x43: {  	_ =	shalt  }
0x44: {  	_ =	shalt  }
0x45: {  	_ =	shalt  }
0x46: {  	_ =	shalt  }
0x47: {  	_ =	shalt  }
0x48: {  	_ =	shalt  }
0x49: {  	_ =	shalt  }
0x4a: {  	_ =	shalt  }
0x4b: {  	_ =	shalt  }
0x4c: {  	_ =	shalt  }
0x4d: {  	_ =	shalt  }
0x4e: {  	_ =	shalt  }
0x4f: {  	_ =	shalt  }
0x50: {  	_ =	shalt  }
0x51: {  	_ =	shalt  }
0x52: {  	_ =	shalt  }
0x53: {  	_ =	shalt  }
0x54: {  	_ =	shalt  }
0x55: {  	_ =	shalt  }
0x56: {  	_ =	shalt  }
0x57: {  	_ =	shalt  }
0x58: {  	_ =	shalt  }
0x59: {  	_ =	shalt  }
0x5a: {  	_ =	shalt  }
0x5b: {  	_ =	shalt  }
0x5c: {  	_ =	shalt  }
0x5d: {  	_ =	shalt  }
0x5e: {  	_ =	shalt  }
0x5f: {  	_ =	shalt  }
0x60: {  	_ =	shalt  }
0x61: {  	_ =	shalt  }
0x62: {  	_ =	shalt  }
0x63: {  	_ =	shalt  }
0x64: {  	_ =	shalt  }
0x65: {  	_ =	shalt  }
0x66: {  	_ =	shalt  }
0x67: {  	_ =	shalt  }
0x68: {  	_ =	shalt  }
0x69: {  	_ =	shalt  }
0x6a: {  	_ =	shalt  }
0x6b: {  	_ =	shalt  }
0x6c: {  	_ =	shalt  }
0x6d: {  	_ =	shalt  }
0x6e: {  	_ =	shalt  }
0x6f: {  	_ =	shalt  }
0x70: {  	_ =	shalt  }
0x71: {  	_ =	shalt  }
0x72: {  	_ =	shalt  }
0x73: {  	_ =	shalt  }
0x74: {  	_ =	shalt  }
0x75: {  	_ =	shalt  }
0x76: {  	_ =	shalt  }
0x77: {  	_ =	shalt  }
0x78: {  	_ =	shalt  }
0x79: {  	_ =	shalt  }
0x7a: {  	_ =	shalt  }
0x7b: {  	_ =	shalt  }
0x7c: {  	_ =	shalt  }
0x7d: {  	_ =	shalt  }
0x7e: {  	_ =	shalt  }
0x7f: {  	_ =	shalt  }
0x80: {  	_ =	shalt  }
0x81: {  	_ =	shalt  }
0x82: {  	_ =	shalt  }
0x83: {  	_ =	shalt  }
0x84: {  	_ =	shalt  }
0x85: {  	_ =	shalt  }
0x86: {  	_ =	shalt  }
0x87: {  	_ =	shalt  }
.Lfunc_end0:
.L_simem_size_0:
called_computation_lowered:
.L_overlay_start_0:
0x88: {  	s2 =	sld [smem:$0x3FD9]  }
0x89: {  	s3 =	sld [smem:$0x3FFE];
	_ =	sdelay $0x1  }
0x8a: {  	s1 =	srdreg.scid  }
0x8b: {  	s0 =	sand.u32 $0x1, s1  }
0x8c: {  	s17 =	sshll.u32 s0, $0xA;
	s2 =	sadd.s32 s3, s2  }
0x8d: {  	s2 =	sadd.s32 s2, s17  }
0x8e: {  	[smem:$0x3FC6] =	sst s2  }
0x8f: {  	_ = 	snop  }
0x90: {  	s2 =	sld [smem:$0x3FD0];
	(tm) =	ssettm $0x1  }
0x91: {  	s18 =	sld [smem:$0x3FFB];
	_ =	sdelay $0x3  }
0x92: {  	_ =	strace s18  }
0x93: {  	s3 =	sld [smem:$0x3FFC];
	_ =	sdelay $0x3  }
0x94: {  	_ =	strace s3  }
0x95: {  	s3 =	sld [smem:$0x3FFD];
	_ =	sdelay $0x3  }
0x96: {  	_ =	strace s3  }
0x97: {  	_ =	strace $0x8FFFFFFF  }
0x98: {  	s19 =	sld [smem:$0x3FDB];
	_ =	sdelay $0x1  }
0x99: {  	s4 =	simm.s32 $_scs_section_size  }
0x9a: {  	s5 =	simm.s32 $_size__tile_overlayer_lowered;
	s6 =	simm.s32 $_tile_overlayer_lowered  }
0x9b: {  	s22 =	simm.s32 $0x1BFF;
	s21 =	sshll.u32 s6, $0x1;
	s3 =	sadd.s32 s4, s19  }
0x9c: {  	s7 =	simm.s32 $0x0;
	s20 =	sshll.u32 s5, $0x1;
	s5 =	sadd.s32 s21, s3  }
0x9d: {  	[timem:s7], [sflag:s22] =	dma.local [hbm:s5], s20  }
0x9e: {  	_ =	swait.ge [sflag:s22], s20  }
0x9f: {  	s4 =	ssub.s32 $0x0, s20;
	[sflag:s22] =	ssyncset.done $0x0  }
0xa0: {  	[sflag:s22] =	ssyncadd.s32 s4;
	_ =	sdelay $0x1  }
0xa1: {  	s23 =	simm.s32 $0x1B8B  }
0xa2: {  	_ =	swait.ge [sflag:s23], $0x1  }
0xa3: {  	[sflag:s23] =	ssyncset.done $0x0  }
0xa4: {  	s25 =	simm.s32 $0x1B8E;
	s24 =	sld [smem:$0x3FFE];
	[sflag:s23] =	ssyncadd.s32 $0xFFFFFFFF  }
0xa5: {  	s26 =	simm.s32 $execute0_lowered;
	[smem:$0x3FD2] =	sst s25  }
0xa6: {  	s5 =	sshll.u32 s26, $0x1;
	_ =	strace $0x80000046;
	[dreg:$0x1] =	wrdreg $0xFFFFFFFF  }
0xa7: {  	s28 =	simm.s32 $_size_execute0_lowered;
	s3 =	sadd.s32 s3, s5;
	[dreg:$0x0] =	wrdreg $0x0  }
0xa8: {  	s5 =	sshll.u32 s28, $0x1;
	[dreg:$0x2] =	wrdreg s3  }
0xa9: {  	[dreg:$0x3] =	wrdreg s5  }
0xaa: {  	[dreg:$0x4] =	wrdreg $0xC0  }
0xab: {  	_ =	task [dreg:s7], $0x5FFFF  }
0xac: {  	[dreg:$0x1] =	wrdreg $0xFFFFFFFF  }
0xad: {  	[dreg:$0x0] =	wrdreg $0x60  }
0xae: {  	[dreg:$0x2] =	wrdreg s24  }
0xaf: {  	[dreg:$0x3] =	wrdreg s2  }
0xb0: {  	[dreg:$0x4] =	wrdreg $0x141000  }
0xb1: {  	[dreg:$0x5] =	wrdreg $0x9  }
0xb2: {  	_ =	task.clear_ibuf [dreg:s7], $0x6FFFF;
	_ =	strace $0x90000046  }
0xb3: {  	s29 =	simm.s32 $0x9;
	_ =	strace $0x80000048  }
0xb4: {  	_ =	swait.ge [sflag:s29], $0x1  }
0xb5: {  	[sflag:s29] =	ssyncadd.s32 $0xFFFFFFFF  }
0xb6: {  	_ =	strace $0x90000048  }
0xb7: {  	_ =	sfence  }
0xb8: {  	s30 =	sld [smem:$0x0];
	_ =	sdelay $0x2  }
0xb9: {  	s31 =	sshll.u32 s1, $0xD;
	s1 =	sshrl.u32 s1, $0x2  }
0xba: {  	s3 =	sand.u32 $0x4000, s31;
	s1 =	sadd.s32 s1, s30  }
0xbb: {  	s0 =	sor.u32 s3, s0;
	s1 =	sshll.u32 s1, $0x11  }
0xbc: {  	s0 =	sor.u32 s1, s0  }
0xbd: {  	s0 =	sadd.s32 $0x8F2B, s0  }
0xbe: {  	[sflag:s0] =	ssyncadd.remote.s32 $0x1  }
0xbf: {  	_ =	sfence.sel $0xFFFF  }
0xc0: {  	[dreg:$0x0] =	wrdreg $0xFFFFFFFF;
	(pc) =	sbr.abs _section_cstart, $3  }
0xc1: {  	[dreg:$0x1] =	wrdreg $0xFFFFFFFF  }
0xc2: {  	_ =	task.clear_ibuf [dreg:s7], $0x2FFFF;
	_ =	strace $0x9FFFFFFF  }
0xc3: {  	(tm) =	ssettm $0x7FFFFFFF  }
tec
execute0_lowered:
.L_overlay_start_1:
0x0: {  	(tag) =	ssettag $0x1  }
0x1: {  	s3 =	rddreg [dreg:$0x0]  }
0x2: {  	s9 =	rddreg [dreg:$0x1]  }
0x3: {  	s1 =	rddreg [dreg:$0x2]  }
0x4: {  	s0 =	rddreg [dreg:$0x3]  }
0x5: {  	s4 =	srdreg.scid;
	s12 =	stileid.u32;
	s2 =	simm.s32 $0x0  }
0x6: {  	s16 =	simm.s32 $0x80;
	s17 =	simm.s32 $0x1;
	s18 =	simm.s32 $0xA100  }
0x7: {  	s19 =	simm.s32 $0x2;
	s20 =	simm.s32 $0x0;
	s29 =	smul.u32 $0xC800, s12  }
0x8: {  	s8 =	sand.u32 $0x1, s4;
	s28 =	sshll.u32 s12, $0x1;
	s30 =	smul.u32 $0x320000, s12  }
0x9: {  	[smem:$0x7FF] =	sst s2;
	s10 =	sadd.s32 $0xC00, s3;
	s15 =	smul.u32 $0x6400, s8  }
0xa: {  	s3 =	sadd.s32 $0x19C00, s3;
	s4 =	sor.u32 s8, s28;
	s31 =	smul.u32 $0x190000, s8  }
0xb: {  	p0 =	sne.s32 s12, $0x0;
	s5 =	ssub.s32 $0x2, s8;
	s6 =	smul.u32 $0x6400, s4  }
0xc: {  	_ =	strace $0x80000047;
	s7 =	sshrl.u32 s5, $0x1;
	s13 =	smul.u32 $0x190000, s4  }
0xd: {  	s12 =	sshrl.u32 @!p0 s1, $0x3;
	s7 =	ssub.s32 s5, s7;
	s11 =	sshrl.u32 s6, $0x3  }
0xe: {  	s14 =	sor.u32 $0xA0, s6;
	s6 =	smax.u32 s7, $0x1;
	s7 =	sadd.s32 s9, s13  }
0xf: {  	s13 =	sadd.s32 s30, s9;
	s4 =	sadd.s32 s10, s11;
	s14 =	sshrl.u32 s14, $0x3  }
0x10: {  	s11 =	sadd.s32 s15, s29;
	s9 =	sadd.s32 $0x18EC00, s7;
	s13 =	sadd.s32 s31, s13  }
0x11: {  	s15 =	simm.s32 $0x100;
	s5 =	sadd.s32 $0xA, s4;
	s11 =	sor.u32 $0xF0, s11  }
0x12: {  	s8 =	sadd.s32 s10, s14;
	s14 =	simm.s32 $0x50;
	s11 =	sshrl.u32 s11, $0x3  }
0x13: {  	s10 =	sadd.s32 s11, s10;
	s11 =	sadd.s32 $0x1400, s13;
	s13 =	simm.s32 $0x3  }
.LBB2_1:
0x14: {  	s21 =	simm.s32 @!p0 $0x1C03  }
0x15: {  	[spmem:s12], [sflag:s21] =	dma.local @!p0 [hbm:s3], $0x14400  }
0x16: {  	s21 =	simm.s32 @!p0 $0x3  }
0x17: {  	_ =	swait.ge @!p0 [sflag:s21], $0x14400  }
0x18: {  	[sflag:s21] =	ssyncset.done @!p0 $0x0  }
0x19: {  	[sflag:s21] =	ssyncadd.s32 @!p0 $0xFFFEBC00  }
0x1a: {  	[bflag:$0x0] =	sbarrier.arrive $0xFFFF  }
0x1b: {  	[tilespmem:s2], [sflag:$0x3] =	stream.linear.gather [hbm4b:s4+s2], $0x50, $0x38;
	[tilespmem:$0x1E300] =	vst v63  }
0x1c: {  	_ =	swait.ge [sflag:s13], $0x50  }
0x1d: {  	[sflag:s13] =	ssyncset.done $0x0  }
0x1e: {  	[sflag:s13] =	ssyncadd.s32 $0xFFFFFFB0  }
0x1f: {  	[tilespmem:s15], [sflag:$0x1] =	stream.indirect.gather [spmem:s1], $0x200, s2, s14, $0xb8;
	[tilespmem:$0x1E300] =	vst v63  }
0x20: {  	_ = 	snop  }
0x21: {  	[tilespmem:s16], [sflag:$0x3] =	stream.linear.gather [hbm4b:s5+s2], $0x50, $0x38;
	[tilespmem:$0x1E300] =	vst v63  }
0x22: {  	_ =	swait.ge [sflag:s13], $0x50  }
0x23: {  	[sflag:s13] =	ssyncset.done $0x0  }
0x24: {  	[sflag:s13] =	ssyncadd.s32 $0xFFFFFFB0  }
0x25: {  	_ =	swait.ge [sflag:s17], $0xA000  }
0x26: {  	[sflag:s17] =	ssyncset.done $0x0  }
0x27: {  	[sflag:s17] =	ssyncadd.s32 $0xFFFF6000  }
0x28: {  	[tilespmem:s18], [sflag:$0x1] =	stream.indirect.gather [spmem:s1], $0x200, s16, s14, $0xb8;
	[tilespmem:$0x1E300] =	vst v63  }
0x29: {  	_ = 	snop  }
0x2a: {  	[hbm4b:s7+s2] =	stream.linear.scatter [tilespmem:s15], [sflag:$0x2], $0xA000, $0x38;
	[tilespmem:$0x1E300] =	vst v63  }
0x2b: {  	_ = 	snop  }
0x2c: {  	[tilespmem:s2], [sflag:$0x3] =	stream.linear.gather [hbm4b:s8+s2], $0x50, $0x38;
	[tilespmem:$0x1E300] =	vst v63  }
0x2d: {  	_ =	swait.ge [sflag:s13], $0x50  }
0x2e: {  	[sflag:s13] =	ssyncset.done $0x0  }
0x2f: {  	[sflag:s13] =	ssyncadd.s32 $0xFFFFFFB0  }
0x30: {  	_ =	swait.ge [sflag:s17], $0xA000  }
0x31: {  	s31 =	sand.u32 $0x1, s19;
	[sflag:s17] =	ssyncset.done $0x0  }
0x32: {  	s23 =	simm.s32 $0x200;
	s22 =	smul.u32 $0x28000, s31;
	[sflag:s17] =	ssyncadd.s32 $0xFFFF6000  }
0x33: {  	s24 =	simm.s32 $0x1;
	p1 =	por $0x0, $0x0;
	_ =	swait.ge [sflag:s19], $0xA000  }
0x34: {  	s24 =	sand.u32 $0x1, s24;
	s22 =	sshrl.u32 s22, $0x2;
	[sflag:s19] =	ssyncset.done $0x0  }
0x35: {  	s21 =	sshll.u32 s31, $0x7;
	s22 =	sor.u32 $0x100, s22;
	[sflag:s19] =	ssyncadd.s32 $0xFFFF6000  }
0x36: {  	[tilespmem:s22], [sflag:$0x1] =	stream.indirect.gather [spmem:s1], $0x200, s21, s14, $0xb8;
	[tilespmem:$0x1E300] =	vst v63  }
0x37: {  	s25 =	simm.s32 @!p1 $0x3;
	p2 =	seq.s32 s24, $0x1;
	s21 =	simm.s32 $0xA100  }
0x38: {  	s24 =	smov.u32 s10;
	s22 =	sand.u32 @!p1 $0x200, s23;
	s21 =	simm.s32 @!p2 $0x100  }
0x39: {  	[hbm4b:s11+s2] =	stream.linear.scatter [tilespmem:s21], [sflag:$0x2], $0xA000, $0x38;
	[tilespmem:$0x1E300] =	vst v63  }
0x3a: {  	s23 =	simm.s32 $0x3;
	s22 =	sshrl.u32 @!p1 s22, $0x2;
	s21 =	simm.s32 @!p1 $0x0  }
0x3b: {  	[tilespmem:s22], [sflag:$0x3] =	stream.linear.gather @!p1 [hbm4b:s10+s21], $0x50, $0x38;
	[tilespmem:$0x1E300] =	vst v63  }
0x3c: {  	s21 =	simm.s32 $0x400;
	s22 =	sadd.s32 $0x1400, s11;
	_ =	swait.ge @!p1 [sflag:s25], $0x50  }
.LBB2_2:
0x3d: {  	[sflag:s25] =	ssyncset.done @!p1 $0x0  }
0x3e: {  	s24 =	sadd.s32 $0xA, s24;
	s26 =	smov.u32 s21;
	s21 =	sadd.s32 $0x200, s21  }
0x3f: {  	p2 =	sne.s32 s21, $0x27E00;
	[sflag:s25] =	ssyncadd.s32 @!p1 $0xFFFFFFB0  }
0x40: {  	_ =	swait.ge [sflag:s17], $0xA000  }
0x41: {  	s25 =	sand.u32 $0x1, s23;
	[sflag:s17] =	ssyncset.done $0x0  }
0x42: {  	s28 =	smul.u32 $0x28000, s25;
	[sflag:s17] =	ssyncadd.s32 $0xFFFF6000  }
0x43: {  	s29 =	sadd.s32 $0xFFFFFFFF, s23;
	s25 =	sshll.u32 s25, $0x7;
	_ =	swait.ge [sflag:s19], $0xA000  }
0x44: {  	s30 =	sand.u32 $0x1, s29;
	s28 =	sshrl.u32 s28, $0x2;
	[sflag:s19] =	ssyncset.done $0x0  }
0x45: {  	p1 =	sgt.u32 s29, $0x13D;
	s28 =	sor.u32 $0x100, s28;
	[sflag:s19] =	ssyncadd.s32 $0xFFFF6000  }
0x46: {  	[tilespmem:s28], [sflag:$0x1] =	stream.indirect.gather [spmem:s1], $0x200, s25, s14, $0xb8;
	[tilespmem:$0x1E300] =	vst v63  }
0x47: {  	p3 =	seq.s32 s30, $0x1;
	s26 =	sand.u32 @!p1 $0x200, s26;
	s25 =	simm.s32 $0xA100  }
.Ltmp0:
0x48: {  	s28 =	simm.s32 @!p1 $0x0;
	s25 =	simm.s32 @!p3 $0x100;
	(pc) =	sbr.rel @p2 .LBB2_2-.Ltmp0, $4  }
0x49: {  	[hbm4b:s22+s2] =	stream.linear.scatter [tilespmem:s25], [sflag:$0x2], $0xA000, $0x38;
	[tilespmem:$0x1E300] =	vst v63  }
0x4a: {  	s26 =	sshrl.u32 @!p1 s26, $0x2;
	s25 =	simm.s32 @!p1 $0x3  }
0x4b: {  	[tilespmem:s26], [sflag:$0x3] =	stream.linear.gather @!p1 [hbm4b:s24+s28], $0x50, $0x38;
	[tilespmem:$0x1E300] =	vst v63  }
0x4c: {  	s23 =	sadd.s32 $0x1, s23;
	s22 =	sadd.s32 $0x1400, s22;
	_ =	swait.ge @!p1 [sflag:s25], $0x50  }
0x4d: {  	[sflag:s25] =	ssyncset.done @!p1 $0x0  }
0x4e: {  	[sflag:s25] =	ssyncadd.s32 @!p1 $0xFFFFFFB0  }
0x4f: {  	_ =	swait.ge [sflag:s17], $0xA000  }
0x50: {  	[sflag:s17] =	ssyncset.done $0x0  }
0x51: {  	[sflag:s17] =	ssyncadd.s32 $0xFFFF6000  }
0x52: {  	s20 =	sadd.s32 $0x1, s20;
	_ =	swait.ge [sflag:s19], $0xA000  }
0x53: {  	p1 =	sne.s32 s20, s6;
	[sflag:s19] =	ssyncset.done $0x0  }
.Ltmp1:
0x54: {  	[sflag:s19] =	ssyncadd.s32 $0xFFFF6000;
	(pc) =	sbr.rel @p1 .LBB2_1-.Ltmp1, $4  }
0x55: {  	[hbm4b:s9+s2] =	stream.linear.scatter [tilespmem:s18], [sflag:$0x2], $0xA000, $0x38;
	[tilespmem:$0x1E300] =	vst v63  }
0x56: {  	_ =	swait.ge [sflag:s19], $0xA000  }
0x57: {  	[sflag:s19] =	ssyncset.done $0x0  }
0x58: {  	[sflag:s19] =	ssyncadd.s32 $0xFFFF6000  }
0x59: {  	_ =	sfence.sel $0x180000  }
0x5a: {  	[bflag:$0x0] =	sbarrier.arrive $0xFFFF  }
0x5b: {  	_ =	strace $0x90000047  }
0x5c: {  	s0 =	sadd.s32 @!p0 $0x100000, s0;
	[bflag:$0x2] =	sbarrier.arrive $0xFFFF  }
0x5d: {  	[sflag:s0] =	ssyncadd.tile.s32 @!p0 $0x1;
	_ =	shalt  }
.Lfunc_end2:
_tile_overlayer_lowered:
.L_overlay_start_2:
0x5e: {  	(tag) =	ssettag $0x2  }
0x5f: {  	s0 =	rddreg [dreg:$0x0];
	s2 =	stileid.u32  }
0x60: {  	s1 =	rddreg [dreg:$0x1];
	p0 =	sne.s32 s2, $0x0  }
0x61: {  	s3 =	rddreg [dreg:$0x2];
	[bflag:$0x3] =	sbarrier.arrive $0xFFFF;
	s2 =	simm.s32 @!p0 $0x1C03  }
0x62: {  	[timem:s3], [sflag:s2] =	dma.local @!p0 [hbm:s0], s1  }
0x63: {  	s0 =	simm.s32 @!p0 $0x3  }
0x64: {  	_ =	swait.ge @!p0 [sflag:s0], s1  }
0x65: {  	s1 =	ssub.s32 @!p0 $0x0, s1;
	[sflag:s0] =	ssyncset.done @!p0 $0x0  }
0x66: {  	[sflag:s0] =	ssyncadd.s32 @!p0 s1  }
0x67: {  	[bflag:$0x3] =	sbarrier.arrive $0xFFFF  }
0x68: {  	_ =	shalt  }

</sc_bundles>
